<compile_context>
chip_gen: v7x
topology: tpu7x:2x2x1
jax: 0.10.2.dev20260603
libtpu: 0.0.44.dev20260713+nightly
codegen_flags: <defaults>
</compile_context>

<pallas_src>
import jax
import jax.numpy as jnp
from jax.experimental import pallas as pl
from jax.experimental.pallas import tpu as pltpu

_B, _T, _C = 1, 2048, 1024
_H = 16
_D = _C // _H
_E = 8
_I = 2048

_TB1 = 512
_TB2 = 512
_TBM = 512


def _dot_t(a, b):
    return jax.lax.dot_general(a, b, (((1,), (1,)), ((), ())),
                               preferred_element_type=jnp.float32)


def _qkv_body(x_ref, wq_ref, wk_ref, wv_ref, q_ref, k_ref, v_ref):
    xb = x_ref[...].astype(jnp.bfloat16)
    q_ref[...] = _dot_t(xb, wq_ref[...])
    k_ref[...] = _dot_t(xb, wk_ref[...])
    v_ref[...] = _dot_t(xb, wv_ref[...])


def _router_body(attn_ref, hid_ref, wo_ref, g_ref, b_ref, sim_ref, thr_ref,
                 h_ref, x2_ref, sc_ref, mask_ref, kpt_ref):
    ao = attn_ref[...].astype(jnp.bfloat16)
    h = hid_ref[...] + _dot_t(ao, wo_ref[...])
    h_ref[...] = h
    mu = jnp.mean(h, axis=1, keepdims=True)
    var = jnp.mean((h - mu) ** 2, axis=1, keepdims=True)
    x2 = (h - mu) / jnp.sqrt(var + 1e-5) * g_ref[...] + b_ref[...]
    x2_ref[...] = x2.astype(jnp.bfloat16)
    n = jnp.sqrt(jnp.sum(x2 * x2, axis=1, keepdims=True))
    xn = x2 / jnp.maximum(n, 1e-12)
    sim = sim_ref[...]
    ns = jnp.sqrt(jnp.sum(sim * sim, axis=0, keepdims=True))
    sn = sim / jnp.maximum(ns, 1e-12)
    scores = jax.lax.dot_general(xn.astype(jnp.bfloat16), sn.astype(jnp.bfloat16),
                                 (((1,), (0,)), ((), ())),
                                 preferred_element_type=jnp.float32)
    sc_ref[...] = scores
    maskb = scores > thr_ref[0, 0]
    mask_ref[...] = maskb.astype(jnp.float32)
    kpt_ref[...] = jnp.sum(maskb.astype(jnp.int32), axis=1, keepdims=True)


def _moe_body(x2_ref, w1_ref, w2_ref, mask_ref, h_ref,
              eo_ref, oh_ref, acc_ref):
    e = pl.program_id(1)
    x = x2_ref[...]
    z = _dot_t(x, w1_ref[0])
    a = 0.5 * z * (1.0 + jax.lax.erf(z * 0.7071067811865476))
    o = _dot_t(a.astype(jnp.bfloat16), w2_ref[0])
    m = mask_ref[0, 0, :]
    om = o * m[:, None]
    eo_ref[...] = om

    @pl.when(e == 0)
    def _():
        acc_ref[...] = om

    @pl.when(e > 0)
    def _():
        acc_ref[...] += om

    @pl.when(e == _E - 1)
    def _():
        oh_ref[...] = h_ref[...] + acc_ref[...]


def kernel(hidden_states, W_q, W_k, W_v, W_o, ln1_g, ln1_b, ln2_g, ln2_b,
           sim_matrix, threshold, w1, w2):
    B, T, C, H, D, E, I = _B, _T, _C, _H, _D, _E, _I
    f32 = jnp.float32
    bf16 = jnp.bfloat16
    hid = hidden_states.reshape(T, C)

    mu1 = jnp.mean(hid, axis=-1, keepdims=True)
    var1 = jnp.mean((hid - mu1) ** 2, axis=-1, keepdims=True)
    x1 = (hid - mu1) / jnp.sqrt(var1 + 1e-5) * ln1_g + ln1_b
    q, k, v = pl.pallas_call(
        _qkv_body,
        grid=(T // _TB1,),
        in_specs=[
            pl.BlockSpec((_TB1, C), lambda i: (i, 0)),
            pl.BlockSpec((C, C), lambda i: (0, 0)),
            pl.BlockSpec((C, C), lambda i: (0, 0)),
            pl.BlockSpec((C, C), lambda i: (0, 0)),
        ],
        out_specs=[pl.BlockSpec((_TB1, C), lambda i: (i, 0))] * 3,
        out_shape=[jax.ShapeDtypeStruct((T, C), f32)] * 3,
    )(x1, W_q.astype(bf16), W_k.astype(bf16), W_v.astype(bf16))

    q4 = q.reshape(B, T, H, D).transpose(0, 2, 1, 3)
    k4 = k.reshape(B, T, H, D).transpose(0, 2, 1, 3)
    v4 = v.reshape(B, T, H, D).transpose(0, 2, 1, 3)
    scores_att = jnp.einsum("bhtd,bhsd->bhts", q4, k4) / jnp.sqrt(f32(D))
    causal = jnp.tril(jnp.ones((T, T), dtype=bool))
    scores_att = jnp.where(causal[None, None, :, :], scores_att, f32(-1e9))
    attn = jax.nn.softmax(scores_att, axis=-1)
    attn_out = jnp.einsum("bhts,bhsd->bhtd", attn, v4)
    attn_flat = attn_out.transpose(0, 2, 1, 3).reshape(T, C)

    h, x2bf, router_scores, maskf, kpt = pl.pallas_call(
        _router_body,
        grid=(T // _TB2,),
        in_specs=[
            pl.BlockSpec((_TB2, C), lambda i: (i, 0)),
            pl.BlockSpec((_TB2, C), lambda i: (i, 0)),
            pl.BlockSpec((C, C), lambda i: (0, 0)),
            pl.BlockSpec((1, C), lambda i: (0, 0)),
            pl.BlockSpec((1, C), lambda i: (0, 0)),
            pl.BlockSpec((C, E), lambda i: (0, 0)),
            pl.BlockSpec((1, 1), lambda i: (0, 0)),
        ],
        out_specs=[
            pl.BlockSpec((_TB2, C), lambda i: (i, 0)),
            pl.BlockSpec((_TB2, C), lambda i: (i, 0)),
            pl.BlockSpec((_TB2, E), lambda i: (i, 0)),
            pl.BlockSpec((_TB2, E), lambda i: (i, 0)),
            pl.BlockSpec((_TB2, 1), lambda i: (i, 0)),
        ],
        out_shape=[
            jax.ShapeDtypeStruct((T, C), f32),
            jax.ShapeDtypeStruct((T, C), bf16),
            jax.ShapeDtypeStruct((T, E), f32),
            jax.ShapeDtypeStruct((T, E), f32),
            jax.ShapeDtypeStruct((T, 1), jnp.int32),
        ],
    )(attn_flat, hid, W_o.astype(bf16), ln2_g.reshape(1, C),
      ln2_b.reshape(1, C), sim_matrix, threshold.reshape(1, 1))

    maskT3 = maskf.T.reshape(E, 1, T)

    eo, oh = pl.pallas_call(
        _moe_body,
        grid=(T // _TBM, E),
        in_specs=[
            pl.BlockSpec((_TBM, C), lambda i, e: (i, 0)),
            pl.BlockSpec((1, I, C), lambda i, e: (e, 0, 0)),
            pl.BlockSpec((1, C, I), lambda i, e: (e, 0, 0)),
            pl.BlockSpec((1, 1, _TBM), lambda i, e: (e, 0, i)),
            pl.BlockSpec((_TBM, C), lambda i, e: (i, 0)),
        ],
        out_specs=[
            pl.BlockSpec((_TBM, C), lambda i, e: (i, e)),
            pl.BlockSpec((_TBM, C), lambda i, e: (i, 0)),
        ],
        out_shape=[
            jax.ShapeDtypeStruct((T, E * C), f32),
            jax.ShapeDtypeStruct((T, C), f32),
        ],
        scratch_shapes=[pltpu.VMEM((_TBM, C), f32)],
    )(x2bf, w1.astype(bf16), w2.astype(bf16), maskT3, h)

    out_hidden = oh.reshape(B, T, C)
    expert_outputs_full = eo.reshape(T, E, C)
    k_per_token = kpt.reshape(T)
    return (out_hidden, router_scores, expert_outputs_full, k_per_token)

# --- scband reference (transcript-rebuilt; emitter-appended) ---
"""Pipeline reference for scband-transformer-block-33097017983637 (READ-ONLY COPY).

The authoritative reference and input builder live on the scoring server;
editing this copy changes nothing except your own understanding.
"""

import jax, jax.numpy as jnp
import numpy as np

B, T, C = 1, 2048, 1024
H = 16
D = C // H
E = 8
I = 2048


def _layer_norm(x, g, b, eps=1e-5):
    mu = jnp.mean(x, axis=-1, keepdims=True)
    var = jnp.mean((x - mu) ** 2, axis=-1, keepdims=True)
    return (x - mu) / jnp.sqrt(var + eps) * g + b


def _normalize(x, axis, eps=1e-12):
    n = jnp.sqrt(jnp.sum(x * x, axis=axis, keepdims=True))
    return x / jnp.maximum(n, eps)


def setup_inputs(seed: int = 0) -> dict:
    key = jax.random.key(seed)
    ks = jax.random.split(key, 12)
    s = 0.02
    return {
        "hidden_states": jax.random.normal(ks[0], (B, T, C), dtype=jnp.float32),
        "W_q": jax.random.normal(ks[1], (C, C), dtype=jnp.float32) * s,
        "W_k": jax.random.normal(ks[2], (C, C), dtype=jnp.float32) * s,
        "W_v": jax.random.normal(ks[3], (C, C), dtype=jnp.float32) * s,
        "W_o": jax.random.normal(ks[4], (C, C), dtype=jnp.float32) * s,
        "ln1_g": jnp.ones((C,), dtype=jnp.float32),
        "ln1_b": jnp.zeros((C,), dtype=jnp.float32),
        "ln2_g": jnp.ones((C,), dtype=jnp.float32),
        "ln2_b": jnp.zeros((C,), dtype=jnp.float32),
        "sim_matrix": jax.random.normal(ks[5], (C, E), dtype=jnp.float32),
        "threshold": jnp.zeros((1,), dtype=jnp.float32),
        "w1": jax.random.normal(ks[6], (E, I, C), dtype=jnp.float32) * s,
        "w2": jax.random.normal(ks[7], (E, C, I), dtype=jnp.float32) * s,
    }


def reference(hidden_states, W_q, W_k, W_v, W_o, ln1_g, ln1_b, ln2_g, ln2_b, sim_matrix, threshold, w1, w2):
    x = _layer_norm(hidden_states, ln1_g, ln1_b)
    q = (x @ W_q.T).reshape(B, T, H, D).transpose(0, 2, 1, 3)
    k = (x @ W_k.T).reshape(B, T, H, D).transpose(0, 2, 1, 3)
    v = (x @ W_v.T).reshape(B, T, H, D).transpose(0, 2, 1, 3)
    scores_att = jnp.einsum("bhtd,bhsd->bhts", q, k) / jnp.sqrt(jnp.float32(D))
    causal = jnp.tril(jnp.ones((T, T), dtype=bool))
    scores_att = jnp.where(causal[None, None, :, :], scores_att, jnp.float32(-1e9))
    attn = jax.nn.softmax(scores_att, axis=-1)
    attn_out = jnp.einsum("bhts,bhsd->bhtd", attn, v)
    attn_out = attn_out.transpose(0, 2, 1, 3).reshape(B, T, C) @ W_o.T
    h = hidden_states + attn_out

    x2 = _layer_norm(h, ln2_g, ln2_b)
    flat = x2.reshape(-1, C)
    router_scores = _normalize(flat, axis=-1) @ _normalize(sim_matrix, axis=0)
    activated_mask = router_scores > threshold
    k_per_token = jnp.sum(activated_mask.astype(jnp.int32), axis=-1)
    # routing_weights computed by the gate (returned by gate, unused in weighting)
    masked_scores = jnp.where(activated_mask, router_scores, jnp.float32(-1e9))
    routing_weights = jax.nn.softmax(masked_scores, axis=-1)  # noqa: F841

    # dense expert compute, then mask to reproduce sparse index_put_ semantics
    a = jax.nn.gelu(jnp.einsum("nc,eic->nei", flat, w1), approximate=False)
    dense_out = jnp.einsum("nei,eci->nec", a, w2)
    expert_outputs_full = dense_out * activated_mask[:, :, None].astype(dense_out.dtype)

    ste_mask = activated_mask.astype(flat.dtype)
    weighted = expert_outputs_full * ste_mask[:, :, None]
    final = jnp.sum(weighted, axis=1)
    out_hidden = h + final.reshape(B, T, C)
    return (out_hidden, router_scores, expert_outputs_full, k_per_token)

if __name__ == "__main__":
    import jax
    _d = setup_inputs()
    print(jax.jit(kernel)(*tuple(_d.values())))

</pallas_src>

<mosaic_0001>
module attributes {stable_mosaic.version = 14 : i64} {
  func.func @_qkv_body(%arg0: i32, %arg1: memref<512x1024xf32, #tpu.memory_space<vmem>>, %arg2: memref<1024x1024xbf16, #tpu.memory_space<vmem>>, %arg3: memref<1024x1024xbf16, #tpu.memory_space<vmem>>, %arg4: memref<1024x1024xbf16, #tpu.memory_space<vmem>>, %arg5: memref<512x1024xf32, #tpu.memory_space<vmem>>, %arg6: memref<512x1024xf32, #tpu.memory_space<vmem>>, %arg7: memref<512x1024xf32, #tpu.memory_space<vmem>>) attributes {dimension_semantics = [#tpu.dimension_semantics<arbitrary>], iteration_bounds = array<i64: 4>, scalar_prefetch = 0 : i64, scratch_operands = 0 : i64, tpu.core_type = #tpu.core_type<tc>, window_params = [{transform_indices = @transform_0, window_bounds = array<i64: 512, 1024>}, {pipeline_mode = #tpu.pipeline_mode<synchronous>, transform_indices = @transform_1, window_bounds = array<i64: 1024, 1024>}, {pipeline_mode = #tpu.pipeline_mode<synchronous>, transform_indices = @transform_2, window_bounds = array<i64: 1024, 1024>}, {pipeline_mode = #tpu.pipeline_mode<synchronous>, transform_indices = @transform_3, window_bounds = array<i64: 1024, 1024>}, {transform_indices = @transform_4, window_bounds = array<i64: 512, 1024>}, {transform_indices = @transform_5, window_bounds = array<i64: 512, 1024>}, {transform_indices = @transform_6, window_bounds = array<i64: 512, 1024>}]} {
    %get3A = arith.constant 0 : index
    %get3A_0 = arith.constant 0 : index
    %get3A_1 = vector.load %arg1[%get3A, %get3A_0] : memref<512x1024xf32, #tpu.memory_space<vmem>>, vector<512x1024xf32>
    %convert_element_type3A = arith.truncf %get3A_1 : vector<512x1024xf32> to vector<512x1024xbf16>
    %get3A_2 = arith.constant 0 : index
    %get3A_3 = arith.constant 0 : index
    %get3A_4 = vector.load %arg2[%get3A_2, %get3A_3] : memref<1024x1024xbf16, #tpu.memory_space<vmem>>, vector<1024x1024xbf16>
    %dot_general3A = arith.constant dense<0.000000e+00> : vector<512x1024xf32>
    %dot_general3A_5 = tpu.matmul %convert_element_type3A, %get3A_4, %dot_general3A {dimension_numbers = #tpu.dot_dimension_numbers<[1], [1], [0], [0], [0, 0, 1, 0], [], []>, transpose_lhs_hint = false} : vector<512x1024xbf16>, vector<1024x1024xbf16>, vector<512x1024xf32> -> vector<512x1024xf32>
    %swap3A = arith.constant 0 : index
    %swap3A_6 = arith.constant 0 : index
    %swap3A_7 = vector.load %arg5[%swap3A, %swap3A_6] : memref<512x1024xf32, #tpu.memory_space<vmem>>, vector<512x1024xf32>
    tpu.vector_store %arg5[%swap3A, %swap3A_6], %dot_general3A_5 {strides = array<i32>} : memref<512x1024xf32, #tpu.memory_space<vmem>>, vector<512x1024xf32>,
    %get3A_8 = arith.constant 0 : index
    %get3A_9 = arith.constant 0 : index
    %get3A_10 = vector.load %arg3[%get3A_8, %get3A_9] : memref<1024x1024xbf16, #tpu.memory_space<vmem>>, vector<1024x1024xbf16>
    %dot_general3A_11 = arith.constant dense<0.000000e+00> : vector<512x1024xf32>
    %dot_general3A_12 = tpu.matmul %convert_element_type3A, %get3A_10, %dot_general3A_11 {dimension_numbers = #tpu.dot_dimension_numbers<[1], [1], [0], [0], [0, 0, 1, 0], [], []>, transpose_lhs_hint = false} : vector<512x1024xbf16>, vector<1024x1024xbf16>, vector<512x1024xf32> -> vector<512x1024xf32>
    %swap3A_13 = arith.constant 0 : index
    %swap3A_14 = arith.constant 0 : index
    %swap3A_15 = vector.load %arg6[%swap3A_13, %swap3A_14] : memref<512x1024xf32, #tpu.memory_space<vmem>>, vector<512x1024xf32>
    tpu.vector_store %arg6[%swap3A_13, %swap3A_14], %dot_general3A_12 {strides = array<i32>} : memref<512x1024xf32, #tpu.memory_space<vmem>>, vector<512x1024xf32>,
    %get3A_16 = arith.constant 0 : index
    %get3A_17 = arith.constant 0 : index
    %get3A_18 = vector.load %arg4[%get3A_16, %get3A_17] : memref<1024x1024xbf16, #tpu.memory_space<vmem>>, vector<1024x1024xbf16>
    %dot_general3A_19 = arith.constant dense<0.000000e+00> : vector<512x1024xf32>
    %dot_general3A_20 = tpu.matmul %convert_element_type3A, %get3A_18, %dot_general3A_19 {dimension_numbers = #tpu.dot_dimension_numbers<[1], [1], [0], [0], [0, 0, 1, 0], [], []>, transpose_lhs_hint = false} : vector<512x1024xbf16>, vector<1024x1024xbf16>, vector<512x1024xf32> -> vector<512x1024xf32>
    %swap3A_21 = arith.constant 0 : index
    %swap3A_22 = arith.constant 0 : index
    %swap3A_23 = vector.load %arg7[%swap3A_21, %swap3A_22] : memref<512x1024xf32, #tpu.memory_space<vmem>>, vector<512x1024xf32>
    tpu.vector_store %arg7[%swap3A_21, %swap3A_22], %dot_general3A_20 {strides = array<i32>} : memref<512x1024xf32, #tpu.memory_space<vmem>>, vector<512x1024xf32>,
    return
  }
  func.func @transform_0(%arg0: i32) -> (i32, i32) {
    %c0_i32 = arith.constant 0 : i32
    %c0_i32_0 = arith.constant 0 : i32
    return %arg0, %c0_i32 : i32, i32
  }
  func.func @transform_1(%arg0: i32) -> (i32, i32) {
    %c0_i32 = arith.constant 0 : i32
    %c0_i32_0 = arith.constant 0 : i32
    %c0_i32_1 = arith.constant 0 : i32
    return %c0_i32, %c0_i32_0 : i32, i32
  }
  func.func @transform_2(%arg0: i32) -> (i32, i32) {
    %c0_i32 = arith.constant 0 : i32
    %c0_i32_0 = arith.constant 0 : i32
    %c0_i32_1 = arith.constant 0 : i32
    return %c0_i32, %c0_i32_0 : i32, i32
  }
  func.func @transform_3(%arg0: i32) -> (i32, i32) {
    %c0_i32 = arith.constant 0 : i32
    %c0_i32_0 = arith.constant 0 : i32
    %c0_i32_1 = arith.constant 0 : i32
    return %c0_i32, %c0_i32_0 : i32, i32
  }
  func.func @transform_4(%arg0: i32) -> (i32, i32) {
    %c0_i32 = arith.constant 0 : i32
    %c0_i32_0 = arith.constant 0 : i32
    return %arg0, %c0_i32 : i32, i32
  }
  func.func @transform_5(%arg0: i32) -> (i32, i32) {
    %c0_i32 = arith.constant 0 : i32
    %c0_i32_0 = arith.constant 0 : i32
    return %arg0, %c0_i32 : i32, i32
  }
  func.func @transform_6(%arg0: i32) -> (i32, i32) {
    %c0_i32 = arith.constant 0 : i32
    %c0_i32_0 = arith.constant 0 : i32
    return %arg0, %c0_i32 : i32, i32
  }
}

module {
  func.func @main(%arg0: i32, %arg1: i32, %arg2: i32, %arg3: memref<1x1024x1024xf32, #tpu.memory_space<vmem>>, %arg4: memref<1x1024x64xf32, #tpu.memory_space<vmem>>, %arg5: memref<1x1024x64xf32, #tpu.memory_space<vmem>>, %arg6: memref<1x1024x1xf32, #tpu.memory_space<vmem>>, %arg7: memref<1x1024x1xf32, #tpu.memory_space<vmem>>) attributes {dimension_semantics = [#tpu.dimension_semantics<parallel>, #tpu.dimension_semantics<parallel>, #tpu.dimension_semantics<arbitrary>], iteration_bounds = array<i64: 16, 2, 2>, scratch_operands = 2 : i64, window_params = [{transform_indices = @qk_fn, window_bounds = array<i64: 1, 1024, 1024>}, {transform_indices = @v_fn, window_bounds = array<i64: 1, 1024, 64>}, {transform_indices = @oi_fn, window_bounds = array<i64: 1, 1024, 64>}]} {
    %c0 = arith.constant 0 : index
    %c0_i32 = arith.constant 0 : i32
    %0 = arith.cmpi eq, %c0_i32, %arg2 : i32
    scf.if %0 {
      %cst_3 = arith.constant dense<0.000000e+00> : vector<1x1024x64xf32>
      vector.store %cst_3, %arg5[%c0, %c0, %c0] : memref<1x1024x64xf32, #tpu.memory_space<vmem>>, vector<1x1024x64xf32>
      %cst_4 = arith.constant dense<0xFF800000> : vector<1x1024x1xf32>
      vector.store %cst_4, %arg6[%c0, %c0, %c0] : memref<1x1024x1xf32, #tpu.memory_space<vmem>>, vector<1x1024x1xf32>
      %cst_5 = arith.constant dense<0.000000e+00> : vector<1x1024x1xf32>
      vector.store %cst_5, %arg7[%c0, %c0, %c0] : memref<1x1024x1xf32, #tpu.memory_space<vmem>>, vector<1x1024x1xf32>
    }
    %1 = vector.load %arg3[%c0, %c0, %c0] : memref<1x1024x1024xf32, #tpu.memory_space<vmem>>, vector<1x1024x1024xf32>
    %cst = arith.constant dense<0xFF800000> : vector<1x1024xf32>
    %2 = vector.multi_reduction <maximumf>, %1, %cst [2] : vector<1x1024x1024xf32> to vector<1x1024xf32>
    %3 = vector.shape_cast %2 : vector<1x1024xf32> to vector<1x1024x1xf32>
    %4 = vector.load %arg6[%c0, %c0, %c0] : memref<1x1024x1xf32, #tpu.memory_space<vmem>>, vector<1x1024x1xf32>
    %5 = arith.maximumf %4, %3 : vector<1x1024x1xf32>
    %cst_0 = arith.constant dense<0.000000e+00> : vector<1x1024x1xf32>
    %6 = arith.cmpf oeq, %4, %5 : vector<1x1024x1xf32>
    %7 = arith.subf %4, %5 : vector<1x1024x1xf32>
    %8 = arith.select %6, %cst_0, %7 : vector<1x1024x1xi1>, vector<1x1024x1xf32>
    %9 = vector.broadcast %5 : vector<1x1024x1xf32> to vector<1x1024x1024xf32>
    %10 = arith.subf %1, %9 : vector<1x1024x1024xf32>
    %11 = math.exp %10 : vector<1x1024x1024xf32>
    %cst_1 = arith.constant dense<0.000000e+00> : vector<1x1024xf32>
    %12 = vector.multi_reduction <add>, %11, %cst_1 [2] : vector<1x1024x1024xf32> to vector<1x1024xf32>
    %13 = vector.shape_cast %12 : vector<1x1024xf32> to vector<1x1024x1xf32>
    %14 = vector.load %arg7[%c0, %c0, %c0] : memref<1x1024x1xf32, #tpu.memory_space<vmem>>, vector<1x1024x1xf32>
    %15 = math.exp %8 : vector<1x1024x1xf32>
    %16 = arith.mulf %15, %14 : vector<1x1024x1xf32>
    %17 = arith.addf %16, %13 : vector<1x1024x1xf32>
    %18 = vector.load %arg5[%c0, %c0, %c0] : memref<1x1024x64xf32, #tpu.memory_space<vmem>>, vector<1x1024x64xf32>
    %19 = math.exp %8 : vector<1x1024x1xf32>
    %20 = arith.mulf %19, %14 : vector<1x1024x1xf32>
    %21 = vector.broadcast %20 : vector<1x1024x1xf32> to vector<1x1024x64xf32>
    %22 = arith.mulf %21, %18 : vector<1x1024x64xf32>
    %23 = vector.load %arg4[%c0, %c0, %c0] : memref<1x1024x64xf32, #tpu.memory_space<vmem>>, vector<1x1024x64xf32>
    %24 = vector.shape_cast %23 : vector<1x1024x64xf32> to vector<1024x64xf32>
    %25 = vector.shape_cast %11 : vector<1x1024x1024xf32> to vector<1024x1024xf32>
    %26 = vector.shape_cast %22 : vector<1x1024x64xf32> to vector<1024x64xf32>
    %27 = tpu.matmul %25, %24, %26 {dimension_numbers = #tpu.dot_dimension_numbers<[1], [0], [0], [1], [0, 0, 1, 1], [], []>, precision = #tpu.contract_precision<bf16>, transpose_lhs_hint = false} : vector<1024x1024xf32>, vector<1024x64xf32>, vector<1024x64xf32> -> vector<1024x64xf32>
    %28 = vector.shape_cast %27 : vector<1024x64xf32> to vector<1x1024x64xf32>
    %cst_2 = arith.constant dense<1.000000e+00> : vector<1x1024x1xf32>
    %29 = arith.divf %cst_2, %17 : vector<1x1024x1xf32>
    %30 = vector.broadcast %29 : vector<1x1024x1xf32> to vector<1x1024x64xf32>
    %31 = arith.mulf %28, %30 : vector<1x1024x64xf32>
    %32 = vector.shape_cast %31 : vector<1x1024x64xf32> to vector<1x1024x64xf32>
    vector.store %32, %arg5[%c0, %c0, %c0] : memref<1x1024x64xf32, #tpu.memory_space<vmem>>, vector<1x1024x64xf32>
    vector.store %5, %arg6[%c0, %c0, %c0] : memref<1x1024x1xf32, #tpu.memory_space<vmem>>, vector<1x1024x1xf32>
    vector.store %17, %arg7[%c0, %c0, %c0] : memref<1x1024x1xf32, #tpu.memory_space<vmem>>, vector<1x1024x1xf32>
    return
  }
  func.func @qk_fn(%arg0: i32, %arg1: i32, %arg2: i32) -> (i32, i32, i32) {
    return %arg0, %arg1, %arg2 : i32, i32, i32
  }
  func.func @v_fn(%arg0: i32, %arg1: i32, %arg2: i32) -> (i32, i32, i32) {
    %c0_i32 = arith.constant 0 : i32
    return %arg0, %arg2, %c0_i32 : i32, i32, i32
  }
  func.func @oi_fn(%arg0: i32, %arg1: i32, %arg2: i32) -> (i32, i32, i32) {
    %c0_i32 = arith.constant 0 : i32
    return %arg0, %arg1, %c0_i32 : i32, i32, i32
  }
}

module attributes {stable_mosaic.version = 14 : i64} {
  func.func @_router_body(%arg0: i32, %arg1: memref<512x1024xf32, #tpu.memory_space<vmem>>, %arg2: memref<512x1024xf32, #tpu.memory_space<vmem>>, %arg3: memref<1024x1024xbf16, #tpu.memory_space<vmem>>, %arg4: memref<1x1024xf32, #tpu.memory_space<vmem>>, %arg5: memref<1x1024xf32, #tpu.memory_space<vmem>>, %arg6: memref<1024x8xf32, #tpu.memory_space<vmem>>, %arg7: memref<1x1xf32, #tpu.memory_space<vmem>>, %arg8: memref<512x1024xf32, #tpu.memory_space<vmem>>, %arg9: memref<512x1024xbf16, #tpu.memory_space<vmem>>, %arg10: memref<512x8xf32, #tpu.memory_space<vmem>>, %arg11: memref<512x8xf32, #tpu.memory_space<vmem>>, %arg12: memref<512x1xi32, #tpu.memory_space<vmem>>) attributes {dimension_semantics = [#tpu.dimension_semantics<arbitrary>], iteration_bounds = array<i64: 4>, scalar_prefetch = 0 : i64, scratch_operands = 0 : i64, tpu.core_type = #tpu.core_type<tc>, window_params = [{transform_indices = @transform_0, window_bounds = array<i64: 512, 1024>}, {transform_indices = @transform_1, window_bounds = array<i64: 512, 1024>}, {pipeline_mode = #tpu.pipeline_mode<synchronous>, transform_indices = @transform_2, window_bounds = array<i64: 1024, 1024>}, {pipeline_mode = #tpu.pipeline_mode<synchronous>, transform_indices = @transform_3, window_bounds = array<i64: 1, 1024>}, {pipeline_mode = #tpu.pipeline_mode<synchronous>, transform_indices = @transform_4, window_bounds = array<i64: 1, 1024>}, {pipeline_mode = #tpu.pipeline_mode<synchronous>, transform_indices = @transform_5, window_bounds = array<i64: 1024, 8>}, {pipeline_mode = #tpu.pipeline_mode<synchronous>, transform_indices = @transform_6, window_bounds = array<i64: 1, 1>}, {transform_indices = @transform_7, window_bounds = array<i64: 512, 1024>}, {transform_indices = @transform_8, window_bounds = array<i64: 512, 1024>}, {transform_indices = @transform_9, window_bounds = array<i64: 512, 8>}, {transform_indices = @transform_10, window_bounds = array<i64: 512, 8>}, {transform_indices = @transform_11, window_bounds = array<i64: 512, 1>}]} {
    %get3A = arith.constant 0 : index
    %get3A_0 = arith.constant 0 : index
    %get3A_1 = vector.load %arg1[%get3A, %get3A_0] : memref<512x1024xf32, #tpu.memory_space<vmem>>, vector<512x1024xf32>
    %convert_element_type3A = arith.truncf %get3A_1 : vector<512x1024xf32> to vector<512x1024xbf16>
    %get3A_2 = arith.constant 0 : index
    %get3A_3 = arith.constant 0 : index
    %get3A_4 = vector.load %arg2[%get3A_2, %get3A_3] : memref<512x1024xf32, #tpu.memory_space<vmem>>, vector<512x1024xf32>
    %get3A_5 = arith.constant 0 : index
    %get3A_6 = arith.constant 0 : index
    %get3A_7 = vector.load %arg3[%get3A_5, %get3A_6] : memref<1024x1024xbf16, #tpu.memory_space<vmem>>, vector<1024x1024xbf16>
    %dot_general3A = arith.constant dense<0.000000e+00> : vector<512x1024xf32>
    %dot_general3A_8 = tpu.matmul %convert_element_type3A, %get3A_7, %dot_general3A {dimension_numbers = #tpu.dot_dimension_numbers<[1], [1], [0], [0], [0, 0, 1, 0], [], []>, transpose_lhs_hint = false} : vector<512x1024xbf16>, vector<1024x1024xbf16>, vector<512x1024xf32> -> vector<512x1024xf32>
    %add3A = arith.addf %get3A_4, %dot_general3A_8 : vector<512x1024xf32>
    %swap3A = arith.constant 0 : index
    %swap3A_9 = arith.constant 0 : index
    %swap3A_10 = vector.load %arg8[%swap3A, %swap3A_9] : memref<512x1024xf32, #tpu.memory_space<vmem>>, vector<512x1024xf32>
    tpu.vector_store %arg8[%swap3A, %swap3A_9], %add3A {strides = array<i32>} : memref<512x1024xf32, #tpu.memory_space<vmem>>, vector<512x1024xf32>,
    %reduce_sum3A = arith.constant dense<0.000000e+00> : vector<512xf32>
    %reduce_sum3A_11 = vector.multi_reduction <add>, %add3A, %reduce_sum3A [1] : vector<512x1024xf32> to vector<512xf32>
    %broadcast_in_dim3A = vector.shape_cast %reduce_sum3A_11 : vector<512xf32> to vector<512x1xf32>
    %div3A = arith.constant 1.024000e+03 : f32
    %div3A_12 = vector.broadcast %div3A : f32 to vector<512x1xf32>
    %div3A_13 = arith.divf %broadcast_in_dim3A, %div3A_12 : vector<512x1xf32>
    %sub3A = vector.broadcast %div3A_13 : vector<512x1xf32> to vector<512x1024xf32>
    %sub3A_14 = arith.subf %add3A, %sub3A : vector<512x1024xf32>
    %integer_pow3A = arith.mulf %sub3A_14, %sub3A_14 : vector<512x1024xf32>
    %reduce_sum3A_15 = arith.constant dense<0.000000e+00> : vector<512xf32>
    %reduce_sum3A_16 = vector.multi_reduction <add>, %integer_pow3A, %reduce_sum3A_15 [1] : vector<512x1024xf32> to vector<512xf32>
    %broadcast_in_dim3A_17 = vector.shape_cast %reduce_sum3A_16 : vector<512xf32> to vector<512x1xf32>
    %div3A_18 = arith.constant 1.024000e+03 : f32
    %div3A_19 = vector.broadcast %div3A_18 : f32 to vector<512x1xf32>
    %div3A_20 = arith.divf %broadcast_in_dim3A_17, %div3A_19 : vector<512x1xf32>
    %sub3A_21 = vector.broadcast %div3A_13 : vector<512x1xf32> to vector<512x1024xf32>
    %sub3A_22 = arith.subf %add3A, %sub3A_21 : vector<512x1024xf32>
    %add3A_23 = arith.constant 9.99999974E-6 : f32
    %add3A_24 = vector.broadcast %add3A_23 : f32 to vector<512x1xf32>
    %add3A_25 = arith.addf %div3A_20, %add3A_24 : vector<512x1xf32>
    %sqrt3A = math.sqrt %add3A_25 : vector<512x1xf32>
    %div3A_26 = vector.broadcast %sqrt3A : vector<512x1xf32> to vector<512x1024xf32>
    %div3A_27 = arith.divf %sub3A_22, %div3A_26 : vector<512x1024xf32>
    %get3A_28 = arith.constant 0 : index
    %get3A_29 = arith.constant 0 : index
    %get3A_30 = vector.load %arg4[%get3A_28, %get3A_29] : memref<1x1024xf32, #tpu.memory_space<vmem>>, vector<1x1024xf32>
    %mul3A = vector.broadcast %get3A_30 : vector<1x1024xf32> to vector<512x1024xf32>
    %mul3A_31 = arith.mulf %div3A_27, %mul3A : vector<512x1024xf32>
    %get3A_32 = arith.constant 0 : index
    %get3A_33 = arith.constant 0 : index
    %get3A_34 = vector.load %arg5[%get3A_32, %get3A_33] : memref<1x1024xf32, #tpu.memory_space<vmem>>, vector<1x1024xf32>
    %add3A_35 = vector.broadcast %get3A_34 : vector<1x1024xf32> to vector<512x1024xf32>
    %add3A_36 = arith.addf %mul3A_31, %add3A_35 : vector<512x1024xf32>
    %convert_element_type3A_37 = arith.truncf %add3A_36 : vector<512x1024xf32> to vector<512x1024xbf16>
    %swap3A_38 = arith.constant 0 : index
    %swap3A_39 = arith.constant 0 : index
    %swap3A_40 = vector.load %arg9[%swap3A_38, %swap3A_39] : memref<512x1024xbf16, #tpu.memory_space<vmem>>, vector<512x1024xbf16>
    tpu.vector_store %arg9[%swap3A_38, %swap3A_39], %convert_element_type3A_37 {strides = array<i32>} : memref<512x1024xbf16, #tpu.memory_space<vmem>>, vector<512x1024xbf16>,
    %mul3A_41 = arith.mulf %add3A_36, %add3A_36 : vector<512x1024xf32>
    %reduce_sum3A_42 = arith.constant dense<0.000000e+00> : vector<512xf32>
    %reduce_sum3A_43 = vector.multi_reduction <add>, %mul3A_41, %reduce_sum3A_42 [1] : vector<512x1024xf32> to vector<512xf32>
    %broadcast_in_dim3A_44 = vector.shape_cast %reduce_sum3A_43 : vector<512xf32> to vector<512x1xf32>
    %sqrt3A_45 = math.sqrt %broadcast_in_dim3A_44 : vector<512x1xf32>
    %max3A = arith.constant 9.99999996E-13 : f32
    %max3A_46 = vector.broadcast %max3A : f32 to vector<512x1xf32>
    %max3A_47 = arith.maximumf %sqrt3A_45, %max3A_46 : vector<512x1xf32>
    %div3A_48 = vector.broadcast %max3A_47 : vector<512x1xf32> to vector<512x1024xf32>
    %div3A_49 = arith.divf %add3A_36, %div3A_48 : vector<512x1024xf32>
    %get3A_50 = arith.constant 0 : index
    %get3A_51 = arith.constant 0 : index
    %get3A_52 = vector.load %arg6[%get3A_50, %get3A_51] : memref<1024x8xf32, #tpu.memory_space<vmem>>, vector<1024x8xf32>
    %mul3A_53 = arith.mulf %get3A_52, %get3A_52 : vector<1024x8xf32>
    %reduce_sum3A_54 = arith.constant dense<0.000000e+00> : vector<8xf32>
    %reduce_sum3A_55 = vector.multi_reduction <add>, %mul3A_53, %reduce_sum3A_54 [0] : vector<1024x8xf32> to vector<8xf32>
    %broadcast_in_dim3A_56 = vector.shape_cast %reduce_sum3A_55 : vector<8xf32> to vector<1x8xf32>
    %sqrt3A_57 = math.sqrt %broadcast_in_dim3A_56 : vector<1x8xf32>
    %max3A_58 = arith.constant 9.99999996E-13 : f32
    %max3A_59 = vector.broadcast %max3A_58 : f32 to vector<1x8xf32>
    %max3A_60 = arith.maximumf %sqrt3A_57, %max3A_59 : vector<1x8xf32>
    %div3A_61 = vector.broadcast %max3A_60 : vector<1x8xf32> to vector<1024x8xf32>
    %div3A_62 = arith.divf %get3A_52, %div3A_61 : vector<1024x8xf32>
    %convert_element_type3A_63 = arith.truncf %div3A_49 : vector<512x1024xf32> to vector<512x1024xbf16>
    %convert_element_type3A_64 = arith.truncf %div3A_62 : vector<1024x8xf32> to vector<1024x8xbf16>
    %dot_general3A_65 = arith.constant dense<0.000000e+00> : vector<512x8xf32>
    %dot_general3A_66 = tpu.matmul %convert_element_type3A_63, %convert_element_type3A_64, %dot_general3A_65 {dimension_numbers = #tpu.dot_dimension_numbers<[1], [0], [0], [1], [0, 0, 1, 1], [], []>, transpose_lhs_hint = false} : vector<512x1024xbf16>, vector<1024x8xbf16>, vector<512x8xf32> -> vector<512x8xf32>
    %swap3A_67 = arith.constant 0 : index
    %swap3A_68 = arith.constant 0 : index
    %swap3A_69 = vector.load %arg10[%swap3A_67, %swap3A_68] : memref<512x8xf32, #tpu.memory_space<vmem>>, vector<512x8xf32>
    tpu.vector_store %arg10[%swap3A_67, %swap3A_68], %dot_general3A_66 {strides = array<i32>} : memref<512x8xf32, #tpu.memory_space<vmem>>, vector<512x8xf32>,
    %get3A_70 = arith.constant 0 : index
    %get3A_71 = arith.constant 0 : index
    %get3A_72 = vector.load %arg7[%get3A_70, %get3A_71] : memref<1x1xf32, #tpu.memory_space<vmem>>, vector<1x1xf32>
    %get3A_73 = vector.extract %get3A_72[0, 0] : f32 from vector<1x1xf32>
    %gt3A = vector.broadcast %get3A_73 : f32 to vector<512x8xf32>
    %gt3A_74 = arith.cmpf ogt, %dot_general3A_66, %gt3A : vector<512x8xf32>
    %convert_element_type3A_75 = arith.extui %gt3A_74 : vector<512x8xi1> to vector<512x8xi32>
    %convert_element_type3A_76 = arith.sitofp %convert_element_type3A_75 : vector<512x8xi32> to vector<512x8xf32>
    %swap3A_77 = arith.constant 0 : index
    %swap3A_78 = arith.constant 0 : index
    %swap3A_79 = vector.load %arg11[%swap3A_77, %swap3A_78] : memref<512x8xf32, #tpu.memory_space<vmem>>, vector<512x8xf32>
    tpu.vector_store %arg11[%swap3A_77, %swap3A_78], %convert_element_type3A_76 {strides = array<i32>} : memref<512x8xf32, #tpu.memory_space<vmem>>, vector<512x8xf32>,
    %convert_element_type3A_80 = arith.extui %gt3A_74 : vector<512x8xi1> to vector<512x8xi32>
    %reduce_sum3A_81 = arith.constant dense<0> : vector<512xi32>
    %reduce_sum3A_82 = vector.multi_reduction <add>, %convert_element_type3A_80, %reduce_sum3A_81 [1] : vector<512x8xi32> to vector<512xi32>
    %broadcast_in_dim3A_83 = vector.shape_cast %reduce_sum3A_82 : vector<512xi32> to vector<512x1xi32>
    %swap3A_84 = arith.constant 0 : index
    %swap3A_85 = arith.constant 0 : index
    %swap3A_86 = vector.load %arg12[%swap3A_84, %swap3A_85] : memref<512x1xi32, #tpu.memory_space<vmem>>, vector<512x1xi32>
    tpu.vector_store %arg12[%swap3A_84, %swap3A_85], %broadcast_in_dim3A_83 {strides = array<i32>} : memref<512x1xi32, #tpu.memory_space<vmem>>, vector<512x1xi32>,
    return
  }
  func.func @transform_0(%arg0: i32) -> (i32, i32) {
    %c0_i32 = arith.constant 0 : i32
    %c0_i32_0 = arith.constant 0 : i32
    return %arg0, %c0_i32 : i32, i32
  }
  func.func @transform_1(%arg0: i32) -> (i32, i32) {
    %c0_i32 = arith.constant 0 : i32
    %c0_i32_0 = arith.constant 0 : i32
    return %arg0, %c0_i32 : i32, i32
  }
  func.func @transform_2(%arg0: i32) -> (i32, i32) {
    %c0_i32 = arith.constant 0 : i32
    %c0_i32_0 = arith.constant 0 : i32
    %c0_i32_1 = arith.constant 0 : i32
    return %c0_i32, %c0_i32_0 : i32, i32
  }
  func.func @transform_3(%arg0: i32) -> (i32, i32) {
    %c0_i32 = arith.constant 0 : i32
    %c0_i32_0 = arith.constant 0 : i32
    %c0_i32_1 = arith.constant 0 : i32
    return %c0_i32, %c0_i32_0 : i32, i32
  }
  func.func @transform_4(%arg0: i32) -> (i32, i32) {
    %c0_i32 = arith.constant 0 : i32
    %c0_i32_0 = arith.constant 0 : i32
    %c0_i32_1 = arith.constant 0 : i32
    return %c0_i32, %c0_i32_0 : i32, i32
  }
  func.func @transform_5(%arg0: i32) -> (i32, i32) {
    %c0_i32 = arith.constant 0 : i32
    %c0_i32_0 = arith.constant 0 : i32
    %c0_i32_1 = arith.constant 0 : i32
    return %c0_i32, %c0_i32_0 : i32, i32
  }
  func.func @transform_6(%arg0: i32) -> (i32, i32) {
    %c0_i32 = arith.constant 0 : i32
    %c0_i32_0 = arith.constant 0 : i32
    %c0_i32_1 = arith.constant 0 : i32
    return %c0_i32, %c0_i32_0 : i32, i32
  }
  func.func @transform_7(%arg0: i32) -> (i32, i32) {
    %c0_i32 = arith.constant 0 : i32
    %c0_i32_0 = arith.constant 0 : i32
    return %arg0, %c0_i32 : i32, i32
  }
  func.func @transform_8(%arg0: i32) -> (i32, i32) {
    %c0_i32 = arith.constant 0 : i32
    %c0_i32_0 = arith.constant 0 : i32
    return %arg0, %c0_i32 : i32, i32
  }
  func.func @transform_9(%arg0: i32) -> (i32, i32) {
    %c0_i32 = arith.constant 0 : i32
    %c0_i32_0 = arith.constant 0 : i32
    return %arg0, %c0_i32 : i32, i32
  }
  func.func @transform_10(%arg0: i32) -> (i32, i32) {
    %c0_i32 = arith.constant 0 : i32
    %c0_i32_0 = arith.constant 0 : i32
    return %arg0, %c0_i32 : i32, i32
  }
  func.func @transform_11(%arg0: i32) -> (i32, i32) {
    %c0_i32 = arith.constant 0 : i32
    %c0_i32_0 = arith.constant 0 : i32
    return %arg0, %c0_i32 : i32, i32
  }
}

module attributes {stable_mosaic.version = 14 : i64} {
  func.func @_moe_body(%arg0: i32, %arg1: i32, %arg2: memref<512x1024xbf16, #tpu.memory_space<vmem>>, %arg3: memref<1x2048x1024xbf16, #tpu.memory_space<vmem>>, %arg4: memref<1x1024x2048xbf16, #tpu.memory_space<vmem>>, %arg5: memref<1x1x512xf32, #tpu.memory_space<vmem>>, %arg6: memref<512x1024xf32, #tpu.memory_space<vmem>>, %arg7: memref<512x1024xf32, #tpu.memory_space<vmem>>, %arg8: memref<512x1024xf32, #tpu.memory_space<vmem>>, %arg9: memref<512x1024xf32, #tpu.memory_space<vmem>>) attributes {dimension_semantics = [#tpu.dimension_semantics<arbitrary>, #tpu.dimension_semantics<arbitrary>], iteration_bounds = array<i64: 4, 8>, scalar_prefetch = 0 : i64, scratch_operands = 1 : i64, tpu.core_type = #tpu.core_type<tc>, window_params = [{transform_indices = @transform_0, window_bounds = array<i64: 512, 1024>}, {transform_indices = @transform_1, window_bounds = array<i64: 1, 2048, 1024>}, {transform_indices = @transform_2, window_bounds = array<i64: 1, 1024, 2048>}, {transform_indices = @transform_3, window_bounds = array<i64: 1, 1, 512>}, {transform_indices = @transform_4, window_bounds = array<i64: 512, 1024>}, {transform_indices = @transform_5, window_bounds = array<i64: 512, 1024>}, {transform_indices = @transform_6, window_bounds = array<i64: 512, 1024>}]} {
    %get3A = arith.constant 0 : index
    %get3A_0 = arith.constant 0 : index
    %get3A_1 = vector.load %arg2[%get3A, %get3A_0] : memref<512x1024xbf16, #tpu.memory_space<vmem>>, vector<512x1024xbf16>
    %get3A_2 = arith.constant 0 : index
    %get3A_3 = arith.constant 0 : index
    %get3A_4 = arith.constant 0 : index
    %get3A_5 = vector.load %arg3[%get3A_2, %get3A_3, %get3A_4] : memref<1x2048x1024xbf16, #tpu.memory_space<vmem>>, vector<1x2048x1024xbf16>
    %get3A_6 = vector.shape_cast %get3A_5 : vector<1x2048x1024xbf16> to vector<2048x1024xbf16>
    %dot_general3A = arith.constant dense<0.000000e+00> : vector<512x2048xf32>
    %dot_general3A_7 = tpu.matmul %get3A_1, %get3A_6, %dot_general3A {dimension_numbers = #tpu.dot_dimension_numbers<[1], [1], [0], [0], [0, 0, 1, 0], [], []>, transpose_lhs_hint = false} : vector<512x1024xbf16>, vector<2048x1024xbf16>, vector<512x2048xf32> -> vector<512x2048xf32>
    %mul3A = arith.constant 5.000000e-01 : f32
    %mul3A_8 = vector.broadcast %mul3A : f32 to vector<512x2048xf32>
    %mul3A_9 = arith.mulf %mul3A_8, %dot_general3A_7 : vector<512x2048xf32>
    %mul3A_10 = arith.constant 0.707106769 : f32
    %mul3A_11 = vector.broadcast %mul3A_10 : f32 to vector<512x2048xf32>
    %mul3A_12 = arith.mulf %dot_general3A_7, %mul3A_11 : vector<512x2048xf32>
    %erf3A = math.erf %mul3A_12 : vector<512x2048xf32>
    %add3A = arith.constant 1.000000e+00 : f32
    %add3A_13 = vector.broadcast %add3A : f32 to vector<512x2048xf32>
    %add3A_14 = arith.addf %add3A_13, %erf3A : vector<512x2048xf32>
    %mul3A_15 = arith.mulf %mul3A_9, %add3A_14 : vector<512x2048xf32>
    %convert_element_type3A = arith.truncf %mul3A_15 : vector<512x2048xf32> to vector<512x2048xbf16>
    %get3A_16 = arith.constant 0 : index
    %get3A_17 = arith.constant 0 : index
    %get3A_18 = arith.constant 0 : index
    %get3A_19 = vector.load %arg4[%get3A_16, %get3A_17, %get3A_18] : memref<1x1024x2048xbf16, #tpu.memory_space<vmem>>, vector<1x1024x2048xbf16>
    %get3A_20 = vector.shape_cast %get3A_19 : vector<1x1024x2048xbf16> to vector<1024x2048xbf16>
    %dot_general3A_21 = arith.constant dense<0.000000e+00> : vector<512x1024xf32>
    %dot_general3A_22 = tpu.matmul %convert_element_type3A, %get3A_20, %dot_general3A_21 {dimension_numbers = #tpu.dot_dimension_numbers<[1], [1], [0], [0], [0, 0, 1, 0], [], []>, transpose_lhs_hint = false} : vector<512x2048xbf16>, vector<1024x2048xbf16>, vector<512x1024xf32> -> vector<512x1024xf32>
    %get3A_23 = arith.constant 0 : index
    %get3A_24 = arith.constant 0 : index
    %get3A_25 = arith.constant 0 : index
    %get3A_26 = vector.load %arg5[%get3A_23, %get3A_24, %get3A_25] : memref<1x1x512xf32, #tpu.memory_space<vmem>>, vector<1x1x512xf32>
    %get3A_27 = vector.shape_cast %get3A_26 : vector<1x1x512xf32> to vector<512xf32>
    %broadcast_in_dim3A = vector.shape_cast %get3A_27 : vector<512xf32> to vector<512x1xf32>
    %mul3A_28 = vector.broadcast %broadcast_in_dim3A : vector<512x1xf32> to vector<512x1024xf32>
    %mul3A_29 = arith.mulf %dot_general3A_22, %mul3A_28 : vector<512x1024xf32>
    %swap3A = arith.constant 0 : index
    %swap3A_30 = arith.constant 0 : index
    %swap3A_31 = vector.load %arg7[%swap3A, %swap3A_30] : memref<512x1024xf32, #tpu.memory_space<vmem>>, vector<512x1024xf32>
    tpu.vector_store %arg7[%swap3A, %swap3A_30], %mul3A_29 {strides = array<i32>} : memref<512x1024xf32, #tpu.memory_space<vmem>>, vector<512x1024xf32>,
    %eq3A = arith.constant 0 : i32
    %eq3A_32 = arith.cmpi eq, %arg1, %eq3A : i32
    %convert_element_type3A_33 = arith.extui %eq3A_32 : i1 to i32
    %cond3A = arith.constant 0 : i32
    %cond3A_34 = arith.cmpi ne, %convert_element_type3A_33, %cond3A : i32
    scf.if %cond3A_34 {
      %swap3A_44 = arith.constant 0 : index
      %swap3A_45 = arith.constant 0 : index
      %swap3A_46 = vector.load %arg9[%swap3A_44, %swap3A_45] : memref<512x1024xf32, #tpu.memory_space<vmem>>, vector<512x1024xf32>
      tpu.vector_store %arg9[%swap3A_44, %swap3A_45], %mul3A_29 {strides = array<i32>} : memref<512x1024xf32, #tpu.memory_space<vmem>>, vector<512x1024xf32>,
    } else {
    }
    %gt3A = arith.constant 0 : i32
    %gt3A_35 = arith.cmpi sgt, %arg1, %gt3A : i32
    %convert_element_type3A_36 = arith.extui %gt3A_35 : i1 to i32
    %cond3A_37 = arith.constant 0 : i32
    %cond3A_38 = arith.cmpi ne, %convert_element_type3A_36, %cond3A_37 : i32
    scf.if %cond3A_38 {
      %get3A_44 = arith.constant 0 : index
      %get3A_45 = arith.constant 0 : index
      %get3A_46 = vector.load %arg9[%get3A_44, %get3A_45] : memref<512x1024xf32, #tpu.memory_space<vmem>>, vector<512x1024xf32>
      %add3A_47 = arith.addf %get3A_46, %mul3A_29 : vector<512x1024xf32>
      %swap3A_48 = arith.constant 0 : index
      %swap3A_49 = arith.constant 0 : index
      %swap3A_50 = vector.load %arg9[%swap3A_48, %swap3A_49] : memref<512x1024xf32, #tpu.memory_space<vmem>>, vector<512x1024xf32>
      tpu.vector_store %arg9[%swap3A_48, %swap3A_49], %add3A_47 {strides = array<i32>} : memref<512x1024xf32, #tpu.memory_space<vmem>>, vector<512x1024xf32>,
    } else {
    }
    %eq3A_39 = arith.constant 7 : i32
    %eq3A_40 = arith.cmpi eq, %arg1, %eq3A_39 : i32
    %convert_element_type3A_41 = arith.extui %eq3A_40 : i1 to i32
    %cond3A_42 = arith.constant 0 : i32
    %cond3A_43 = arith.cmpi ne, %convert_element_type3A_41, %cond3A_42 : i32
    scf.if %cond3A_43 {
      %get3A_44 = arith.constant 0 : index
      %get3A_45 = arith.constant 0 : index
      %get3A_46 = vector.load %arg6[%get3A_44, %get3A_45] : memref<512x1024xf32, #tpu.memory_space<vmem>>, vector<512x1024xf32>
      %get3A_47 = arith.constant 0 : index
      %get3A_48 = arith.constant 0 : index
      %get3A_49 = vector.load %arg9[%get3A_47, %get3A_48] : memref<512x1024xf32, #tpu.memory_space<vmem>>, vector<512x1024xf32>
      %add3A_50 = arith.addf %get3A_46, %get3A_49 : vector<512x1024xf32>
      %swap3A_51 = arith.constant 0 : index
      %swap3A_52 = arith.constant 0 : index
      %swap3A_53 = vector.load %arg8[%swap3A_51, %swap3A_52] : memref<512x1024xf32, #tpu.memory_space<vmem>>, vector<512x1024xf32>
      tpu.vector_store %arg8[%swap3A_51, %swap3A_52], %add3A_50 {strides = array<i32>} : memref<512x1024xf32, #tpu.memory_space<vmem>>, vector<512x1024xf32>,
    } else {
    }
    return
  }
  func.func @transform_0(%arg0: i32, %arg1: i32) -> (i32, i32) {
    %c0_i32 = arith.constant 0 : i32
    %c0_i32_0 = arith.constant 0 : i32
    return %arg0, %c0_i32 : i32, i32
  }
  func.func @transform_1(%arg0: i32, %arg1: i32) -> (i32, i32, i32) {
    %c0_i32 = arith.constant 0 : i32
    %c0_i32_0 = arith.constant 0 : i32
    %c0_i32_1 = arith.constant 0 : i32
    return %arg1, %c0_i32, %c0_i32_0 : i32, i32, i32
  }
  func.func @transform_2(%arg0: i32, %arg1: i32) -> (i32, i32, i32) {
    %c0_i32 = arith.constant 0 : i32
    %c0_i32_0 = arith.constant 0 : i32
    %c0_i32_1 = arith.constant 0 : i32
    return %arg1, %c0_i32, %c0_i32_0 : i32, i32, i32
  }
  func.func @transform_3(%arg0: i32, %arg1: i32) -> (i32, i32, i32) {
    %c0_i32 = arith.constant 0 : i32
    %c0_i32_0 = arith.constant 0 : i32
    return %arg1, %c0_i32, %arg0 : i32, i32, i32
  }
  func.func @transform_4(%arg0: i32, %arg1: i32) -> (i32, i32) {
    %c0_i32 = arith.constant 0 : i32
    %c0_i32_0 = arith.constant 0 : i32
    return %arg0, %c0_i32 : i32, i32
  }
  func.func @transform_5(%arg0: i32, %arg1: i32) -> (i32, i32) {
    %c0_i32 = arith.constant 0 : i32
    return %arg0, %arg1 : i32, i32
  }
  func.func @transform_6(%arg0: i32, %arg1: i32) -> (i32, i32) {
    %c0_i32 = arith.constant 0 : i32
    %c0_i32_0 = arith.constant 0 : i32
    return %arg0, %c0_i32 : i32, i32
  }
}

</mosaic_0001>

<sc_bundles>
// kernel: sparse-core-data-format-call.cloned.1.call-start
scs
called_computation_lowered:
.L_overlay_start_0:
0x0: {  	s2 =	sld [smem:$0x3FD9]  }
0x1: {  	s3 =	sld [smem:$0x3FFE];
	_ =	sdelay $0x1  }
0x2: {  	s1 =	srdreg.scid  }
0x3: {  	s0 =	sand.u32 $0x1, s1  }
0x4: {  	s15 =	sshll.u32 s0, $0xA;
	s2 =	sadd.s32 s3, s2  }
0x5: {  	s2 =	sadd.s32 s2, s15  }
0x6: {  	[smem:$0x3FBB] =	sst s2  }
0x7: {  	_ = 	snop  }
0x8: {  	s2 =	sld [smem:$0x3FD0];
	_ =	sdelay $0x2  }
0x9: {  	s16 =	simm.s32 $0xA;
	s4 =	simm.s32 $0x10  }
0xa: {  	[smem:s4], [sflag:s16] =	dma.local [hbm:s2], $0x1  }
0xb: {  	_ =	swait.eq [sflag:s16], $0x1  }
0xc: {  	[sflag:s16] =	ssyncset.done $0x0  }
0xd: {  	[sflag:s16] =	ssyncadd.s32 $0xFFFFFFFF  }
0xe: {  	s17 =	sld [smem:$0x12];
	(tm) =	ssettm $0x1  }
0xf: {  	s18 =	sld [smem:$0x3FFB];
	_ =	sdelay $0x3  }
0x10: {  	_ =	strace s18  }
0x11: {  	s3 =	sld [smem:$0x3FFC];
	_ =	sdelay $0x3  }
0x12: {  	_ =	strace s3  }
0x13: {  	s3 =	sld [smem:$0x3FFD];
	_ =	sdelay $0x3  }
0x14: {  	_ =	strace s3  }
0x15: {  	_ =	strace $0x8FFFFFFF  }
0x16: {  	s19 =	sld [smem:$0x3FDB];
	_ =	sdelay $0x1  }
0x17: {  	s20 =	simm.s32 $_scs_section_size  }
0x18: {  	s5 =	simm.s32 $_size__tile_overlayer_lowered;
	s6 =	simm.s32 $_tile_overlayer_lowered  }
0x19: {  	s23 =	simm.s32 $0x1BFF;
	s22 =	sshll.u32 s6, $0x1;
	s3 =	sadd.s32 s20, s19  }
0x1a: {  	s7 =	simm.s32 $0x0;
	s21 =	sshll.u32 s5, $0x1;
	s5 =	sadd.s32 s22, s3  }
0x1b: {  	[timem:s7], [sflag:s23] =	dma.local [hbm:s5], s21  }
0x1c: {  	_ =	swait.ge [sflag:s23], s21  }
0x1d: {  	s4 =	ssub.s32 $0x0, s21;
	[sflag:s23] =	ssyncset.done $0x0  }
0x1e: {  	[sflag:s23] =	ssyncadd.s32 s4;
	_ =	sdelay $0x1  }
0x1f: {  	s24 =	simm.s32 $0x1B8B  }
0x20: {  	_ =	swait.ge [sflag:s24], $0x1  }
0x21: {  	[sflag:s24] =	ssyncset.done $0x0  }
0x22: {  	s26 =	simm.s32 $0x1B8E;
	s25 =	sld [smem:$0x3FFE];
	[sflag:s24] =	ssyncadd.s32 $0xFFFFFFFF  }
0x23: {  	s27 =	simm.s32 $execute0_lowered;
	[smem:$0x3FD2] =	sst s26  }
0x24: {  	s5 =	sshll.u32 s27, $0x1;
	_ =	strace $0x80000046;
	[dreg:$0x1] =	wrdreg $0xFFFFFFFF  }
0x25: {  	s28 =	simm.s32 $_size_execute0_lowered;
	s3 =	sadd.s32 s3, s5;
	[dreg:$0x0] =	wrdreg $0x0  }
0x26: {  	s5 =	sshll.u32 s28, $0x1;
	[dreg:$0x2] =	wrdreg s3  }
0x27: {  	[dreg:$0x3] =	wrdreg s5  }
0x28: {  	[dreg:$0x4] =	wrdreg $0xC0  }
0x29: {  	_ =	task [dreg:s7], $0x5FFFF  }
0x2a: {  	[dreg:$0x1] =	wrdreg $0xFFFFFFFF  }
0x2b: {  	[dreg:$0x0] =	wrdreg $0x60  }
0x2c: {  	[dreg:$0x2] =	wrdreg s25  }
0x2d: {  	[dreg:$0x3] =	wrdreg s17  }
0x2e: {  	[dreg:$0x4] =	wrdreg $0x9  }
0x2f: {  	_ =	task.clear_ibuf [dreg:s7], $0x5FFFF;
	_ =	strace $0x90000046  }
0x30: {  	s29 =	simm.s32 $0x9;
	_ =	strace $0x80000048  }
0x31: {  	_ =	swait.ge [sflag:s29], $0x1  }
0x32: {  	[sflag:s29] =	ssyncadd.s32 $0xFFFFFFFF  }
0x33: {  	_ =	strace $0x90000048  }
0x34: {  	_ =	sfence  }
0x35: {  	s30 =	sld [smem:$0x0];
	_ =	sdelay $0x2  }
0x36: {  	s31 =	sshll.u32 s1, $0xD;
	s1 =	sshrl.u32 s1, $0x2  }
0x37: {  	s3 =	sand.u32 $0x4000, s31;
	s1 =	sadd.s32 s1, s30  }
0x38: {  	s0 =	sor.u32 s3, s0;
	s1 =	sshll.u32 s1, $0x11  }
0x39: {  	s0 =	sor.u32 s1, s0  }
0x3a: {  	s0 =	sadd.s32 $0x8F2B, s0  }
0x3b: {  	[sflag:s0] =	ssyncadd.remote.s32 $0x1  }
0x3c: {  	_ =	sfence.sel $0xFFFF  }
0x3d: {  	[dreg:$0x0] =	wrdreg $0xFFFFFFFF;
	(pc) =	sbr.abs _section_cstart, $3  }
0x3e: {  	[dreg:$0x1] =	wrdreg $0xFFFFFFFF  }
0x3f: {  	_ =	task.clear_ibuf [dreg:s7], $0x2FFFF;
	_ =	strace $0x9FFFFFFF  }
0x40: {  	(tm) =	ssettm $0x7FFFFFFF  }
0x41: {  	_ =	shalt  }
tec
execute0_lowered:
.L_overlay_start_1:
0x0: {  	(tag) =	ssettag $0x1  }
0x1: {  	s1 =	rddreg [dreg:$0x0]  }
0x2: {  	s2 =	rddreg [dreg:$0x1]  }
0x3: {  	s0 =	rddreg [dreg:$0x2]  }
0x4: {  	_ =	strace $0x80000047;
	s4 =	srdreg.scid;
	s6 =	simm.s32 $0x2  }
0x5: {  	s12 =	simm.s32 $0x0;
	p0 =	por $0x0, $0x0;
	s13 =	simm.s32 $0x0  }
0x6: {  	s15 =	simm.s32 $0x0;
	s14 =	simm.s32 $0x0;
	s8 =	simm.s32 $0x0  }
.Ltmp0:
0x7: {  	s9 =	simm.s32 $0x0;
	s10 =	simm.s32 $0x0;
	(pc) =	sbr.rel .LBB1_1-.Ltmp0, $4  }
0x8: {  	s7 =	simm.s32 $0x0;
	s3 =	sadd.s32 $0x112000, s1;
	s5 =	sshll.u32 s4, $0x4  }
0x9: {  	s1 =	stileid.u32;
	s4 =	simm.s32 $0x1;
	s5 =	sand.u32 $0x10, s5  }
0xa: {  	s21 =	simm.s32 $0x0;
	[sflag:s4] =	ssyncpa.u1 $0x0;
	s5 =	sor.u32 s1, s5  }
0xb: {  	[sflag:s6] =	ssyncpa.u1 $0x0;
	s6 =	simm.s32 $0x2000;
	s11 =	smov.u32 s5  }
.LBB1_7:
0xc: {  	s16 =	sadd.s32 $0x100, s8  }
0xd: {  	s12 =	sadd.s32 $0x8, s9;
	s17 =	smov.u32 s9;
	p2 =	sgt.s32 s16, $0x3FF  }
0xe: {  	s17 =	smov.u32 @p2 s12  }
0xf: {  	s18 =	smov.u32 s10;
	s12 =	sadd.s32 $0x8, s10;
	p3 =	sgt.s32 s17, $0x7  }
0x10: {  	s18 =	smov.u32 @p3 s12  }
0x11: {  	s19 =	smov.u32 s11;
	s12 =	sadd.s32 $0x20, s11;
	p4 =	sgt.s32 s18, $0x7  }
0x12: {  	p1 =	slt.u32 s7, $0x2;
	s19 =	smov.u32 @p4 s12  }
0x13: {  	s7 =	sadd.s32 $0x1, s7;
	s16 =	simm.s32 @p2 $0x0;
	p2 =	sgt.s32 s19, $0xFF  }
0x14: {  	s20 =	simm.s32 @!p1 $0x2;
	s19 =	smov.u32 @p2 s5;
	p2 =	sne.s32 s7, $0x22  }
.Ltmp1:
0x15: {  	s13 =	smov.u32 s9;
	_ =	swait.ge @!p1 [sflag:s20], $0x4000;
	(pc) =	sbr.rel @!p2 .LBB1_8-.Ltmp1, $4  }
0x16: {  	s15 =	smov.u32 s10;
	s14 =	smov.u32 s11;
	[sflag:s20] =	ssyncset.done @!p1 $0x0  }
0x17: {  	p0 =	por !p0, !p0;
	s17 =	simm.s32 @p3 $0x0;
	[sflag:s20] =	ssyncadd.s32 @!p1 $0xFFFFC000  }
0x18: {  	s9 =	smov.u32 s17;
	s18 =	simm.s32 @p4 $0x0;
	s12 =	smov.u32 s8  }
0x19: {  	s8 =	smov.u32 s16;
	s10 =	smov.u32 s18;
	s11 =	smov.u32 s19  }
.LBB1_1:
0x1a: {  	p1 =	sgt.u32 s7, $0x1F  }
0x1b: {  	s16 =	sxor.u32 @!p1 $0xFFFFFFFF, s7  }
0x1c: {  	s17 =	sshll.u32 @!p1 s9, $0x7;
	s18 =	sand.u32 @!p1 $0x78, s8;
	s19 =	sshll.u32 @!p1 s11, $0xD  }
0x1d: {  	s20 =	sand.u32 @!p1 $0x380, s8;
	s16 =	sshll.u32 @!p1 s16, $0xE;
	s17 =	sand.u32 @!p1 $0x380, s17  }
0x1e: {  	s19 =	sadd.s32 @!p1 s3, s19;
	s17 =	sor.u32 @!p1 s18, s17;
	s18 =	sshll.u32 @!p1 s10, $0xA  }
0x1f: {  	s16 =	sand.u32 @!p1 $0x4000, s16;
	s18 =	sadd.s32 @!p1 s18, s19;
	s19 =	sand.u32 @!p1 $0x7, s8  }
0x20: {  	s17 =	sshrl.u32 @!p1 s17, $0x3;
	s18 =	sadd.s32 @!p1 s20, s18;
	s19 =	sshll.u32 @!p1 s19, $0x12  }
0x21: {  	s17 =	sadd.s32 @!p1 s17, s18;
	s18 =	sor.u32 @!p1 $0x800, s19;
	s19 =	simm.s32 @!p1 $0x2000  }
0x22: {  	[tilespmem:s16], [sflag:$0x1] =	stream.strided.gather @!p1 [hbm4b:s17+s18], $0x4000, s19, s18, $0x38;
	[tilespmem:$0x10000] =	vst v63  }
0x23: {  	p1 =	seq.s32 s7, $0x0  }
0x24: {  	p2 =	seq.s32 @!p1 s7, $0x21  }
0x25: {  	p1 =	por p1, p2  }
.Ltmp2:
0x26: {  	_ = 	snop;
	(pc) =	sbr.rel @p1 .LBB1_7-.Ltmp2, $1  }
0x27: {  	_ =	sdelay $0x3  }
0x28: {  	s16 =	simm.s32 $0x1  }
0x29: {  	_ =	swait.ge [sflag:s4], $0x4000;
	s31 =	sshll.u32 s7, $0xE;
	p1 =	por $0x0, $0x0  }
0x2a: {  	s22 =	simm.s32 $0x0;
	s23 =	simm.s32 $0x0;
	s16 =	simm.s32 @!p0 $0x0  }
0x2b: {  	[sflag:s4] =	ssyncset.done $0x0;
	s19 =	sand.u32 $0x4000, s31;
	s16 =	sshll.u32 s16, $0x10  }
0x2c: {  	[sflag:s4] =	ssyncadd.s32 $0xFFFFC000;
	s20 =	sshrl.u32 s16, $0x2;
	s16 =	sor.u32 $0x8000, s19  }
0x2d: {  	s17 =	sor.u32 $0x40, s20;
	s18 =	sor.u32 $0x8410, s20;
	s20 =	sadd.s32 $0x8400, s20  }
.LBB1_3:
0x2e: {  	v1 =	vld [tilespmem:s17+$0xFFFFFFD0]  }
0x2f: {  	v2 =	vld [tilespmem:s17+$0x430]  }
0x30: {  	s24 =	sshll.u32 s23, $0xB;
	v4 =	vld [tilespmem:s17+$0xFFFFFFE0]  }
0x31: {  	v7 =	vld [tilespmem:s17+$0xFFFFFFF0];
	v0 =	vmov s24  }
0x32: {  	v8 =	vld [tilespmem:s17+$0x0]  }
0x33: {  	s30 =	sand.u32 $0x300, s21;
	v9 =	vld [tilespmem:s17+$0x10]  }
0x34: {  	s25 =	sand.u32 $0x80, s21;
	v10 =	vld [tilespmem:s17+$0x20];
	s24 =	sadd.s32 s30, s19  }
0x35: {  	v11 =	vld [tilespmem:s17+$0x30];
	s24 =	sadd.s32 s25, s24;
	s25 =	simm.s32 $0x1;
	[tilespmem:s18+$0x60] =	vst v2  }
0x36: {  	s31 =	sshll.u32 s22, $0x2;
	s25 =	simm.s32 @!p1 $0x0;
	[tilespmem:s18+$0xFFFFFC00] =	vst v1;
	v3 =	vld.idx.msk [tilespmem:v0+s24+$0x400 ss:$0x1], $0xffff  }
0x37: {  	v6 =	vld [tilespmem:s17+$0x3D0];
	s25 =	sshll.u32 s25, $0x9;
	[tilespmem:s18+$0xFFFFFC10] =	vst v4;
	s24 =	sand.u32 $0xFFFFFC00, s31  }
0x38: {  	v5 =	vld [tilespmem:s17+$0x3E0];
	[tilespmem:s18+$0xFFFFFC20] =	vst v7;
	s24 =	sor.u32 s25, s24  }
0x39: {  	[tilespmem:s18+$0xFFFFFC30] =	vst v8;
	v4 =	vld [tilespmem:s17+$0x400];
	s24 =	sshrl.u32 s24, $0x2  }
0x3a: {  	[tilespmem:s18+$0xFFFFFC40] =	vst v9;
	v1 =	vld [tilespmem:s17+$0x410];
	s24 =	sadd.s32 s24, s20  }
0x3b: {  	[tilespmem:s24+$0x0] =	vst v3;
	v3 =	vld [tilespmem:s17+$0x3F0]  }
0x3c: {  	s28 =	simm.s32 $0x80;
	s27 =	simm.s32 $0x100;
	[tilespmem:s18+$0xFFFFFC50] =	vst v10;
	v2 =	vld [tilespmem:s17+$0x420]  }
0x3d: {  	s26 =	smov.u32 s18;
	s29 =	sand.u32 $0x300, s28;
	v7 =	vld [tilespmem:s17+$0xFFFFFFC0];
	[tilespmem:s18+$0xFFFFFC60] =	vst v11;
	s25 =	sadd.s32 $0x80, s17  }
.LBB1_4:
0x3e: {  	p2 =	sne.s32 s27, $0x380;
	v8 =	vld [tilespmem:s25+$0xFFFFFFD0];
	s28 =	sand.u32 $0x80, s28;
	s29 =	sadd.s32 s29, s19;
	[tilespmem:s26+$0x0] =	vst v6  }
0x3f: {  	s29 =	sadd.s32 s28, s29;
	v6 =	vld [tilespmem:s25+$0x430];
	[tilespmem:s26+$0x10] =	vst v5;
	s28 =	smov.u32 s27  }
0x40: {  	v5 =	vld.idx.msk [tilespmem:v0+s29+$0x400 ss:$0x1], $0xffff;
	[tilespmem:s26+$0x20] =	vst v3  }
0x41: {  	v3 =	vld [tilespmem:s25+$0xFFFFFFE0];
	[tilespmem:s26+$0x30] =	vst v4  }
0x42: {  	v4 =	vld [tilespmem:s25+$0xFFFFFFF0];
	[tilespmem:s26+$0xFFFFFBF0] =	vst v7  }
0x43: {  	v7 =	vld [tilespmem:s25+$0x0];
	[tilespmem:s26+$0x40] =	vst v1  }
0x44: {  	v1 =	vld [tilespmem:s25+$0x10];
	[tilespmem:s26+$0x50] =	vst v2;
	s26 =	sadd.s32 $0x800, s26  }
0x45: {  	s24 =	sadd.s32 $0x800, s24;
	v2 =	vld [tilespmem:s25+$0x20];
	[tilespmem:s26+$0x60] =	vst v6  }
0x46: {  	v9 =	vld [tilespmem:s25+$0x30];
	[tilespmem:s24+$0x0] =	vst v5  }
0x47: {  	[tilespmem:s26+$0xFFFFFC00] =	vst v8;
	v6 =	vld [tilespmem:s25+$0x3D0]  }
0x48: {  	[tilespmem:s26+$0xFFFFFC10] =	vst v3;
	v5 =	vld [tilespmem:s25+$0x3E0]  }
.Ltmp3:
0x49: {  	[tilespmem:s26+$0xFFFFFC20] =	vst v4;
	v3 =	vld [tilespmem:s25+$0x3F0];
	(pc) =	sbr.rel @p2 .LBB1_4-.Ltmp3, $4  }
0x4a: {  	[tilespmem:s26+$0xFFFFFC30] =	vst v7;
	v4 =	vld [tilespmem:s25+$0x400]  }
0x4b: {  	[tilespmem:s26+$0xFFFFFC40] =	vst v1;
	v1 =	vld [tilespmem:s25+$0x410]  }
0x4c: {  	[tilespmem:s26+$0xFFFFFC50] =	vst v2;
	v2 =	vld [tilespmem:s25+$0x420]  }
0x4d: {  	s27 =	sadd.s32 $0x80, s27;
	s29 =	sand.u32 $0x300, s28;
	v7 =	vld [tilespmem:s25+$0xFFFFFFC0];
	[tilespmem:s26+$0xFFFFFC60] =	vst v9;
	s25 =	sadd.s32 $0x80, s25  }
0x4e: {  	[tilespmem:s26+$0x0] =	vst v6  }
0x4f: {  	[tilespmem:s26+$0x10] =	vst v5  }
0x50: {  	v49 =	vld [tilespmem:s25+$0x430];
	[tilespmem:s26+$0x20] =	vst v3  }
0x51: {  	v50 =	vld [tilespmem:s25+$0xFFFFFFD0];
	[tilespmem:s26+$0x30] =	vst v4  }
0x52: {  	v51 =	vld [tilespmem:s25+$0xFFFFFFE0];
	[tilespmem:s26+$0x40] =	vst v1  }
0x53: {  	v52 =	vld [tilespmem:s25+$0xFFFFFFF0];
	[tilespmem:s26+$0x50] =	vst v2  }
0x54: {  	s31 =	sadd.s32 $0x800, s26;
	v53 =	vld [tilespmem:s25+$0x0];
	[tilespmem:s26+$0xFFFFFBF0] =	vst v7  }
0x55: {  	v54 =	vld [tilespmem:s25+$0x10];
	[tilespmem:s31+$0x60] =	vst v49  }
0x56: {  	v55 =	vld [tilespmem:s25+$0x20];
	[tilespmem:s31+$0xFFFFFC00] =	vst v50  }
0x57: {  	v56 =	vld [tilespmem:s25+$0x30];
	[tilespmem:s31+$0xFFFFFC10] =	vst v51  }
0x58: {  	v57 =	vld [tilespmem:s25+$0x3D0];
	[tilespmem:s31+$0xFFFFFC20] =	vst v52  }
0x59: {  	v58 =	vld [tilespmem:s25+$0x3E0];
	[tilespmem:s31+$0xFFFFFC30] =	vst v53  }
0x5a: {  	v59 =	vld [tilespmem:s25+$0x3F0];
	[tilespmem:s31+$0xFFFFFC40] =	vst v54  }
0x5b: {  	v60 =	vld [tilespmem:s25+$0x400];
	[tilespmem:s31+$0xFFFFFC50] =	vst v55  }
0x5c: {  	v61 =	vld [tilespmem:s25+$0xFFFFFFC0];
	[tilespmem:s31+$0xFFFFFC60] =	vst v56  }
0x5d: {  	s27 =	sand.u32 $0x80, s28;
	s30 =	sadd.s32 s29, s19;
	v62 =	vld [tilespmem:s25+$0x410];
	[tilespmem:s31+$0x0] =	vst v57  }
0x5e: {  	v63 =	vld [tilespmem:s25+$0x420];
	s23 =	sadd.s32 $0x1, s23;
	s27 =	sadd.s32 s27, s30;
	[tilespmem:s31+$0x10] =	vst v58  }
0x5f: {  	p2 =	sne.s32 s23, $0x8;
	v0 =	vld.idx.msk [tilespmem:v0+s27+$0x400 ss:$0x1], $0xffff;
	[tilespmem:s31+$0x20] =	vst v59  }
.Ltmp4:
0x60: {  	[tilespmem:s31+$0x30] =	vst v60;
	(pc) =	sbr.rel @p2 .LBB1_3-.Ltmp4, $4  }
0x61: {  	[tilespmem:s31+$0xFFFFFBF0] =	vst v61  }
0x62: {  	[tilespmem:s31+$0x40] =	vst v62  }
0x63: {  	s24 =	sadd.s32 $0x800, s24;
	s17 =	sadd.s32 $0x800, s17;
	[tilespmem:s31+$0x50] =	vst v63  }
0x64: {  	s22 =	sadd.s32 $0x80, s22;
	p1 =	por !p1, !p1;
	s18 =	sadd.s32 $0x80, s18;
	[tilespmem:s24+$0x0] =	vst v0  }
0x65: {  	s15 =	sshll.u32 s15, $0x7;
	s17 =	sand.u32 $0x78, s12  }
0x66: {  	s14 =	sshll.u32 s14, $0xD;
	s13 =	sshll.u32 s13, $0xA;
	s29 =	sand.u32 $0x380, s12  }
.Ltmp5:
0x67: {  	s15 =	sand.u32 $0x380, s15;
	s14 =	sadd.s32 s2, s14;
	(pc) =	sbr.rel .LBB1_7-.Ltmp5, $4  }
0x68: {  	s30 =	sand.u32 $0x7, s12;
	s15 =	sor.u32 s15, s17;
	s13 =	sadd.s32 s13, s14  }
0x69: {  	s12 =	sshll.u32 s30, $0x12;
	s31 =	sshrl.u32 s15, $0x3;
	s13 =	sadd.s32 s29, s13  }
0x6a: {  	s12 =	sor.u32 $0x800, s12;
	s13 =	sadd.s32 s31, s13  }
0x6b: {  	[hbm4b:s13+s12] =	stream.strided.scatter [tilespmem:s16], [sflag:$0x2], $0x4000, s6, s12, $0x38;
	[tilespmem:$0x10000] =	vst v63  }
.LBB1_8:
0x6c: {  	_ =	sfence.sel $0x180000  }
0x6d: {  	s2 =	simm.s32 $0x1;
	[bflag:$0x0] =	sbarrier.arrive $0xFFFF  }
0x6e: {  	s31 =	simm.s32 $0x2;
	[sflag:s2] =	ssyncpa.u1 $0x1  }
0x6f: {  	[sflag:s31] =	ssyncpa.u1 $0x1  }
0x70: {  	p0 =	sne.s32 s1, $0x0;
	_ =	strace $0x90000047  }
0x71: {  	s0 =	sadd.s32 @!p0 $0x100000, s0;
	[bflag:$0x2] =	sbarrier.arrive $0xFFFF  }
0x72: {  	[sflag:s0] =	ssyncadd.tile.s32 @!p0 $0x1;
	_ =	shalt  }
.Lfunc_end1:
_tile_overlayer_lowered:
.L_overlay_start_2:
0x73: {  	(tag) =	ssettag $0x2  }
0x74: {  	s0 =	rddreg [dreg:$0x0];
	s2 =	stileid.u32  }
0x75: {  	s1 =	rddreg [dreg:$0x1];
	p0 =	sne.s32 s2, $0x0  }
0x76: {  	s3 =	rddreg [dreg:$0x2];
	[bflag:$0x3] =	sbarrier.arrive $0xFFFF;
	s2 =	simm.s32 @!p0 $0x1C01  }
0x77: {  	[timem:s3], [sflag:s2] =	dma.local @!p0 [hbm:s0], s1  }
0x78: {  	s0 =	simm.s32 @!p0 $0x1  }
0x79: {  	_ =	swait.ge @!p0 [sflag:s0], s1  }
0x7a: {  	s1 =	ssub.s32 @!p0 $0x0, s1;
	[sflag:s0] =	ssyncset.done @!p0 $0x0  }
0x7b: {  	[sflag:s0] =	ssyncadd.s32 @!p0 s1  }
0x7c: {  	[bflag:$0x3] =	sbarrier.arrive $0xFFFF  }
0x7d: {  	_ =	shalt  }

</sc_bundles>
